<compile_context>
chip_gen: v7x
topology: tpu7x:2x2x1
jax: 0.10.2.dev20260603
libtpu: 0.0.44.dev20260713+nightly
codegen_flags: <defaults>
</compile_context>

<pallas_src>
import functools

import jax
import jax.numpy as jnp
from jax import lax
from jax.experimental import pallas as pl
from jax.experimental.pallas import tpu as pltpu
from jax.experimental.pallas import tpu_sc as plsc

_B, _S, _D = 4, 4096, 1024
_NC, _NS = 2, 16
_ROWS_PER_CORE = _S // _NC
_RA = 72
_RB = 56
_CA = 24
_NCA = _RA // _CA
_A_CORE = _RA * _NS
assert _RA + _RB == _ROWS_PER_CORE // _NS


def _build_sc_copy():
    mesh = plsc.VectorSubcoreMesh(core_axis_name="c", subcore_axis_name="s")

    @functools.partial(
        pl.kernel,
        mesh=mesh,
        out_type=jax.ShapeDtypeStruct((_B, _S, _D), jnp.float32),
        scratch_types=(
            [pltpu.VMEM((_RA, _D), jnp.float32)]
            + [pltpu.VMEM_SHARED((_RB * _NS, _D), jnp.float32)]
            + [pltpu.SemaphoreType.DMA, pltpu.SemaphoreType.DMA]
        ),
    )
    def sc_copy(emb_hbm, out_hbm, *scratch):
        buf_a = scratch[0]
        buf_b = scratch[1]
        rsem, wsem = scratch[2], scratch[3]
        cid = lax.axis_index("c")
        sid = lax.axis_index("s")
        core_base = cid * _ROWS_PER_CORE
        a_base = core_base + sid * _RA
        b_base = core_base + _A_CORE + sid * _RB
        b_off = sid * _RB

        ra = pltpu.async_copy(
            emb_hbm.at[pl.ds(a_base, _RA)], buf_a, rsem)
        rb = pltpu.async_copy(
            emb_hbm.at[pl.ds(b_base, _RB)], buf_b.at[pl.ds(b_off, _RB)], rsem)

        wdescs = []
        ra.wait()
        wdescs += [
            pltpu.async_copy(buf_a, out_hbm.at[b, pl.ds(a_base, _RA)], wsem)
            for b in range(_B)
        ]
        rb.wait()
        wdescs += [
            pltpu.async_copy(
                buf_b.at[pl.ds(b_off, _RB)], out_hbm.at[b, pl.ds(b_base, _RB)],
                wsem)
            for b in range(_B)
        ]
        for d in wdescs:
            d.wait()

    return sc_copy


_sc_copy = _build_sc_copy()


def kernel(input_ids, embeddings):
    del input_ids
    return _sc_copy(embeddings)

# --- scband reference (transcript-rebuilt; emitter-appended) ---
"""Pipeline reference for scband-position-embedding-51307679318121 (READ-ONLY COPY).

The authoritative reference and input builder live on the scoring server;
editing this copy changes nothing except your own understanding.
"""

import jax, jax.numpy as jnp
import numpy as np

B, S = 4, 4096
DIM = 1024
MAX_LEN = 8192

def _build_embeddings():
    # Faithful to the keras build(): exponents = -range(0,dim,2)*log(10000);
    # deno = exp(-exponents/dim); args = pos * deno
    exponents = -jnp.arange(0, DIM, 2, dtype=jnp.float32) * jnp.log(10000.0)
    deno = jnp.exp(-exponents / DIM)[None, :]                 # [1, dim/2]
    pos = jnp.arange(0, MAX_LEN, dtype=jnp.float32)[:, None]  # [max_len, 1]
    args = pos * deno                                          # [max_len, dim/2]
    emb = jnp.zeros((MAX_LEN, DIM), dtype=jnp.float32)
    emb = emb.at[:, 0::2].set(jnp.sin(args))
    # dim is even here
    emb = emb.at[:, 1::2].set(jnp.cos(args))
    return emb

def setup_inputs(seed: int = 0) -> dict:
    key = jax.random.key(seed)
    input_ids = jax.random.randint(key, (B, S), 0, 1000, dtype=jnp.int32)
    embeddings = _build_embeddings()
    return {"input_ids": input_ids, "embeddings": embeddings}

def reference(input_ids, embeddings):
    b, s = input_ids.shape
    position_ids = jnp.arange(0, s, dtype=jnp.int32)[None, :]   # [1, S]
    output = jnp.take(embeddings, position_ids, axis=0)          # [1, S, DIM]
    return jnp.tile(output, (b, 1, 1))                           # [B, S, DIM]

if __name__ == "__main__":
    import jax
    _d = setup_inputs()
    print(jax.jit(kernel)(*tuple(_d.values())))

</pallas_src>

<mosaic_0001>
#map = affine_map<(d0, d1) -> (0, 0)>
#map1 = affine_map<(d0, d1) -> (0, 0, 0)>
module attributes {stable_mosaic.version = 14 : i64} {
  func.func @sc_copy(%arg0: i32, %arg1: i32, %arg2: memref<8192x1024xf32, #tpu.memory_space<hbm>>, %arg3: memref<4x4096x1024xf32, #tpu.memory_space<hbm>>, %arg4: memref<72x1024xf32, #tpu.memory_space<vmem>>, %arg5: memref<896x1024xf32, #tpu.memory_space<vmem_shared>>, %arg6: memref<!tpu.dma_semaphore, #tpu.memory_space<semaphore_mem>>, %arg7: memref<!tpu.dma_semaphore, #tpu.memory_space<semaphore_mem>>) attributes {dimension_semantics = [#tpu.dimension_semantics<core_parallel>, #tpu.dimension_semantics<subcore_parallel>], iteration_bounds = array<i64: 2, 16>, scalar_prefetch = 0 : i64, scratch_operands = 4 : i64, tpu.core_type = #tpu.core_type<sc_vector_subcore>, window_params = [{transform_indices = #map}, {transform_indices = #map1}]} {
    %mul3A = arith.constant 2048 : i32
    %mul3A_0 = arith.muli %arg0, %mul3A : i32
    %mul3A_1 = arith.constant 72 : i32
    %mul3A_2 = arith.muli %arg1, %mul3A_1 : i32
    %add3A = arith.addi %mul3A_0, %mul3A_2 : i32
    %add3A_3 = arith.constant 1152 : i32
    %add3A_4 = arith.addi %mul3A_0, %add3A_3 : i32
    %mul3A_5 = arith.constant 56 : i32
    %mul3A_6 = arith.muli %arg1, %mul3A_5 : i32
    %add3A_7 = arith.addi %add3A_4, %mul3A_6 : i32
    %mul3A_8 = arith.constant 56 : i32
    %mul3A_9 = arith.muli %arg1, %mul3A_8 : i32
    %dma_start3A = arith.constant 0 : i32
    %dma_start3A_10 = tpu.memref_slice %arg2[%add3A, %dma_start3A] : memref<8192x1024xf32, #tpu.memory_space<hbm>> -> memref<72x1024xf32, #tpu.memory_space<hbm>>
    %dma_start3A_11 = arith.constant 0 : i32
    %dma_start3A_12 = tpu.memref_slice %arg2[%add3A, %dma_start3A_11] : memref<8192x1024xf32, #tpu.memory_space<hbm>> -> memref<72x1024xf32, #tpu.memory_space<hbm>>
    tpu.enqueue_dma source(%dma_start3A_12 : memref<72x1024xf32, #tpu.memory_space<hbm>>) target(%arg4 : memref<72x1024xf32, #tpu.memory_space<vmem>>) target_semaphore(%arg6 : memref<!tpu.dma_semaphore, #tpu.memory_space<semaphore_mem>>)
    %dma_start3A_13 = arith.constant 0 : i32
    %dma_start3A_14 = tpu.memref_slice %arg5[%mul3A_9, %dma_start3A_13] : memref<896x1024xf32, #tpu.memory_space<vmem_shared>> -> memref<56x1024xf32, #tpu.memory_space<vmem_shared>>
    %dma_start3A_15 = arith.constant 0 : i32
    %dma_start3A_16 = tpu.memref_slice %arg2[%add3A_7, %dma_start3A_15] : memref<8192x1024xf32, #tpu.memory_space<hbm>> -> memref<56x1024xf32, #tpu.memory_space<hbm>>
    tpu.enqueue_dma source(%dma_start3A_16 : memref<56x1024xf32, #tpu.memory_space<hbm>>) target(%dma_start3A_14 : memref<56x1024xf32, #tpu.memory_space<vmem_shared>>) target_semaphore(%arg6 : memref<!tpu.dma_semaphore, #tpu.memory_space<semaphore_mem>>)
    %dma_wait3A = arith.constant 0 : i32
    %dma_wait3A_17 = tpu.memref_slice %arg2[%add3A, %dma_wait3A] : memref<8192x1024xf32, #tpu.memory_space<hbm>> -> memref<72x1024xf32, #tpu.memory_space<hbm>>
    %dma_wait3A_18 = arith.constant 0 : i32
    %dma_wait3A_19 = tpu.memref_slice %arg2[%add3A, %dma_wait3A_18] : memref<8192x1024xf32, #tpu.memory_space<hbm>> -> memref<72x1024xf32, #tpu.memory_space<hbm>>
    tpu.wait_dma2 semaphore(%arg6 : memref<!tpu.dma_semaphore, #tpu.memory_space<semaphore_mem>>) src(%dma_wait3A_19 : memref<72x1024xf32, #tpu.memory_space<hbm>>) dst(%arg4 : memref<72x1024xf32, #tpu.memory_space<vmem>>)
    %dma_start3A_20 = arith.constant 0 : i32
    %dma_start3A_21 = arith.constant 0 : i32
    %dma_start3A_22 = tpu.memref_slice %arg3[%dma_start3A_20, %add3A, %dma_start3A_21] : memref<4x4096x1024xf32, #tpu.memory_space<hbm>> -> memref<1x72x1024xf32, #tpu.memory_space<hbm>>
    %dma_start3A_23 = tpu.memref_squeeze %dma_start3A_22 : memref<1x72x1024xf32, #tpu.memory_space<hbm>> -> memref<72x1024xf32, #tpu.memory_space<hbm>>
    %dma_start3A_24 = arith.constant 0 : i32
    %dma_start3A_25 = tpu.memref_slice %arg3[%dma_start3A_20, %add3A, %dma_start3A_24] : memref<4x4096x1024xf32, #tpu.memory_space<hbm>> -> memref<1x72x1024xf32, #tpu.memory_space<hbm>>
    %dma_start3A_26 = tpu.memref_squeeze %dma_start3A_25 : memref<1x72x1024xf32, #tpu.memory_space<hbm>> -> memref<72x1024xf32, #tpu.memory_space<hbm>>
    tpu.enqueue_dma source(%arg4 : memref<72x1024xf32, #tpu.memory_space<vmem>>) target(%dma_start3A_26 : memref<72x1024xf32, #tpu.memory_space<hbm>>) target_semaphore(%arg7 : memref<!tpu.dma_semaphore, #tpu.memory_space<semaphore_mem>>)
    %dma_start3A_27 = arith.constant 1 : i32
    %dma_start3A_28 = arith.constant 0 : i32
    %dma_start3A_29 = tpu.memref_slice %arg3[%dma_start3A_27, %add3A, %dma_start3A_28] : memref<4x4096x1024xf32, #tpu.memory_space<hbm>> -> memref<1x72x1024xf32, #tpu.memory_space<hbm>>
    %dma_start3A_30 = tpu.memref_squeeze %dma_start3A_29 : memref<1x72x1024xf32, #tpu.memory_space<hbm>> -> memref<72x1024xf32, #tpu.memory_space<hbm>>
    %dma_start3A_31 = arith.constant 0 : i32
    %dma_start3A_32 = tpu.memref_slice %arg3[%dma_start3A_27, %add3A, %dma_start3A_31] : memref<4x4096x1024xf32, #tpu.memory_space<hbm>> -> memref<1x72x1024xf32, #tpu.memory_space<hbm>>
    %dma_start3A_33 = tpu.memref_squeeze %dma_start3A_32 : memref<1x72x1024xf32, #tpu.memory_space<hbm>> -> memref<72x1024xf32, #tpu.memory_space<hbm>>
    tpu.enqueue_dma source(%arg4 : memref<72x1024xf32, #tpu.memory_space<vmem>>) target(%dma_start3A_33 : memref<72x1024xf32, #tpu.memory_space<hbm>>) target_semaphore(%arg7 : memref<!tpu.dma_semaphore, #tpu.memory_space<semaphore_mem>>)
    %dma_start3A_34 = arith.constant 2 : i32
    %dma_start3A_35 = arith.constant 0 : i32
    %dma_start3A_36 = tpu.memref_slice %arg3[%dma_start3A_34, %add3A, %dma_start3A_35] : memref<4x4096x1024xf32, #tpu.memory_space<hbm>> -> memref<1x72x1024xf32, #tpu.memory_space<hbm>>
    %dma_start3A_37 = tpu.memref_squeeze %dma_start3A_36 : memref<1x72x1024xf32, #tpu.memory_space<hbm>> -> memref<72x1024xf32, #tpu.memory_space<hbm>>
    %dma_start3A_38 = arith.constant 0 : i32
    %dma_start3A_39 = tpu.memref_slice %arg3[%dma_start3A_34, %add3A, %dma_start3A_38] : memref<4x4096x1024xf32, #tpu.memory_space<hbm>> -> memref<1x72x1024xf32, #tpu.memory_space<hbm>>
    %dma_start3A_40 = tpu.memref_squeeze %dma_start3A_39 : memref<1x72x1024xf32, #tpu.memory_space<hbm>> -> memref<72x1024xf32, #tpu.memory_space<hbm>>
    tpu.enqueue_dma source(%arg4 : memref<72x1024xf32, #tpu.memory_space<vmem>>) target(%dma_start3A_40 : memref<72x1024xf32, #tpu.memory_space<hbm>>) target_semaphore(%arg7 : memref<!tpu.dma_semaphore, #tpu.memory_space<semaphore_mem>>)
    %dma_start3A_41 = arith.constant 3 : i32
    %dma_start3A_42 = arith.constant 0 : i32
    %dma_start3A_43 = tpu.memref_slice %arg3[%dma_start3A_41, %add3A, %dma_start3A_42] : memref<4x4096x1024xf32, #tpu.memory_space<hbm>> -> memref<1x72x1024xf32, #tpu.memory_space<hbm>>
    %dma_start3A_44 = tpu.memref_squeeze %dma_start3A_43 : memref<1x72x1024xf32, #tpu.memory_space<hbm>> -> memref<72x1024xf32, #tpu.memory_space<hbm>>
    %dma_start3A_45 = arith.constant 0 : i32
    %dma_start3A_46 = tpu.memref_slice %arg3[%dma_start3A_41, %add3A, %dma_start3A_45] : memref<4x4096x1024xf32, #tpu.memory_space<hbm>> -> memref<1x72x1024xf32, #tpu.memory_space<hbm>>
    %dma_start3A_47 = tpu.memref_squeeze %dma_start3A_46 : memref<1x72x1024xf32, #tpu.memory_space<hbm>> -> memref<72x1024xf32, #tpu.memory_space<hbm>>
    tpu.enqueue_dma source(%arg4 : memref<72x1024xf32, #tpu.memory_space<vmem>>) target(%dma_start3A_47 : memref<72x1024xf32, #tpu.memory_space<hbm>>) target_semaphore(%arg7 : memref<!tpu.dma_semaphore, #tpu.memory_space<semaphore_mem>>)
    %dma_wait3A_48 = arith.constant 0 : i32
    %dma_wait3A_49 = tpu.memref_slice %arg5[%mul3A_9, %dma_wait3A_48] : memref<896x1024xf32, #tpu.memory_space<vmem_shared>> -> memref<56x1024xf32, #tpu.memory_space<vmem_shared>>
    %dma_wait3A_50 = arith.constant 0 : i32
    %dma_wait3A_51 = tpu.memref_slice %arg2[%add3A_7, %dma_wait3A_50] : memref<8192x1024xf32, #tpu.memory_space<hbm>> -> memref<56x1024xf32, #tpu.memory_space<hbm>>
    tpu.wait_dma2 semaphore(%arg6 : memref<!tpu.dma_semaphore, #tpu.memory_space<semaphore_mem>>) src(%dma_wait3A_51 : memref<56x1024xf32, #tpu.memory_space<hbm>>) dst(%dma_wait3A_49 : memref<56x1024xf32, #tpu.memory_space<vmem_shared>>)
    %dma_start3A_52 = arith.constant 0 : i32
    %dma_start3A_53 = arith.constant 0 : i32
    %dma_start3A_54 = tpu.memref_slice %arg3[%dma_start3A_52, %add3A_7, %dma_start3A_53] : memref<4x4096x1024xf32, #tpu.memory_space<hbm>> -> memref<1x56x1024xf32, #tpu.memory_space<hbm>>
    %dma_start3A_55 = tpu.memref_squeeze %dma_start3A_54 : memref<1x56x1024xf32, #tpu.memory_space<hbm>> -> memref<56x1024xf32, #tpu.memory_space<hbm>>
    %dma_start3A_56 = arith.constant 0 : i32
    %dma_start3A_57 = tpu.memref_slice %arg5[%mul3A_9, %dma_start3A_56] : memref<896x1024xf32, #tpu.memory_space<vmem_shared>> -> memref<56x1024xf32, #tpu.memory_space<vmem_shared>>
    tpu.enqueue_dma source(%dma_start3A_57 : memref<56x1024xf32, #tpu.memory_space<vmem_shared>>) target(%dma_start3A_55 : memref<56x1024xf32, #tpu.memory_space<hbm>>) target_semaphore(%arg7 : memref<!tpu.dma_semaphore, #tpu.memory_space<semaphore_mem>>)
    %dma_start3A_58 = arith.constant 1 : i32
    %dma_start3A_59 = arith.constant 0 : i32
    %dma_start3A_60 = tpu.memref_slice %arg3[%dma_start3A_58, %add3A_7, %dma_start3A_59] : memref<4x4096x1024xf32, #tpu.memory_space<hbm>> -> memref<1x56x1024xf32, #tpu.memory_space<hbm>>
    %dma_start3A_61 = tpu.memref_squeeze %dma_start3A_60 : memref<1x56x1024xf32, #tpu.memory_space<hbm>> -> memref<56x1024xf32, #tpu.memory_space<hbm>>
    %dma_start3A_62 = arith.constant 0 : i32
    %dma_start3A_63 = tpu.memref_slice %arg5[%mul3A_9, %dma_start3A_62] : memref<896x1024xf32, #tpu.memory_space<vmem_shared>> -> memref<56x1024xf32, #tpu.memory_space<vmem_shared>>
    tpu.enqueue_dma source(%dma_start3A_63 : memref<56x1024xf32, #tpu.memory_space<vmem_shared>>) target(%dma_start3A_61 : memref<56x1024xf32, #tpu.memory_space<hbm>>) target_semaphore(%arg7 : memref<!tpu.dma_semaphore, #tpu.memory_space<semaphore_mem>>)
    %dma_start3A_64 = arith.constant 2 : i32
    %dma_start3A_65 = arith.constant 0 : i32
    %dma_start3A_66 = tpu.memref_slice %arg3[%dma_start3A_64, %add3A_7, %dma_start3A_65] : memref<4x4096x1024xf32, #tpu.memory_space<hbm>> -> memref<1x56x1024xf32, #tpu.memory_space<hbm>>
    %dma_start3A_67 = tpu.memref_squeeze %dma_start3A_66 : memref<1x56x1024xf32, #tpu.memory_space<hbm>> -> memref<56x1024xf32, #tpu.memory_space<hbm>>
    %dma_start3A_68 = arith.constant 0 : i32
    %dma_start3A_69 = tpu.memref_slice %arg5[%mul3A_9, %dma_start3A_68] : memref<896x1024xf32, #tpu.memory_space<vmem_shared>> -> memref<56x1024xf32, #tpu.memory_space<vmem_shared>>
    tpu.enqueue_dma source(%dma_start3A_69 : memref<56x1024xf32, #tpu.memory_space<vmem_shared>>) target(%dma_start3A_67 : memref<56x1024xf32, #tpu.memory_space<hbm>>) target_semaphore(%arg7 : memref<!tpu.dma_semaphore, #tpu.memory_space<semaphore_mem>>)
    %dma_start3A_70 = arith.constant 3 : i32
    %dma_start3A_71 = arith.constant 0 : i32
    %dma_start3A_72 = tpu.memref_slice %arg3[%dma_start3A_70, %add3A_7, %dma_start3A_71] : memref<4x4096x1024xf32, #tpu.memory_space<hbm>> -> memref<1x56x1024xf32, #tpu.memory_space<hbm>>
    %dma_start3A_73 = tpu.memref_squeeze %dma_start3A_72 : memref<1x56x1024xf32, #tpu.memory_space<hbm>> -> memref<56x1024xf32, #tpu.memory_space<hbm>>
    %dma_start3A_74 = arith.constant 0 : i32
    %dma_start3A_75 = tpu.memref_slice %arg5[%mul3A_9, %dma_start3A_74] : memref<896x1024xf32, #tpu.memory_space<vmem_shared>> -> memref<56x1024xf32, #tpu.memory_space<vmem_shared>>
    tpu.enqueue_dma source(%dma_start3A_75 : memref<56x1024xf32, #tpu.memory_space<vmem_shared>>) target(%dma_start3A_73 : memref<56x1024xf32, #tpu.memory_space<hbm>>) target_semaphore(%arg7 : memref<!tpu.dma_semaphore, #tpu.memory_space<semaphore_mem>>)
    %dma_wait3A_76 = arith.constant 0 : i32
    %dma_wait3A_77 = arith.constant 0 : i32
    %dma_wait3A_78 = tpu.memref_slice %arg3[%dma_wait3A_76, %add3A, %dma_wait3A_77] : memref<4x4096x1024xf32, #tpu.memory_space<hbm>> -> memref<1x72x1024xf32, #tpu.memory_space<hbm>>
    %dma_wait3A_79 = tpu.memref_squeeze %dma_wait3A_78 : memref<1x72x1024xf32, #tpu.memory_space<hbm>> -> memref<72x1024xf32, #tpu.memory_space<hbm>>
    %dma_wait3A_80 = arith.constant 0 : i32
    %dma_wait3A_81 = tpu.memref_slice %arg3[%dma_wait3A_76, %add3A, %dma_wait3A_80] : memref<4x4096x1024xf32, #tpu.memory_space<hbm>> -> memref<1x72x1024xf32, #tpu.memory_space<hbm>>
    %dma_wait3A_82 = tpu.memref_squeeze %dma_wait3A_81 : memref<1x72x1024xf32, #tpu.memory_space<hbm>> -> memref<72x1024xf32, #tpu.memory_space<hbm>>
    tpu.wait_dma2 semaphore(%arg7 : memref<!tpu.dma_semaphore, #tpu.memory_space<semaphore_mem>>) src(%arg4 : memref<72x1024xf32, #tpu.memory_space<vmem>>) dst(%dma_wait3A_82 : memref<72x1024xf32, #tpu.memory_space<hbm>>)
    %dma_wait3A_83 = arith.constant 1 : i32
    %dma_wait3A_84 = arith.constant 0 : i32
    %dma_wait3A_85 = tpu.memref_slice %arg3[%dma_wait3A_83, %add3A, %dma_wait3A_84] : memref<4x4096x1024xf32, #tpu.memory_space<hbm>> -> memref<1x72x1024xf32, #tpu.memory_space<hbm>>
    %dma_wait3A_86 = tpu.memref_squeeze %dma_wait3A_85 : memref<1x72x1024xf32, #tpu.memory_space<hbm>> -> memref<72x1024xf32, #tpu.memory_space<hbm>>
    %dma_wait3A_87 = arith.constant 0 : i32
    %dma_wait3A_88 = tpu.memref_slice %arg3[%dma_wait3A_83, %add3A, %dma_wait3A_87] : memref<4x4096x1024xf32, #tpu.memory_space<hbm>> -> memref<1x72x1024xf32, #tpu.memory_space<hbm>>
    %dma_wait3A_89 = tpu.memref_squeeze %dma_wait3A_88 : memref<1x72x1024xf32, #tpu.memory_space<hbm>> -> memref<72x1024xf32, #tpu.memory_space<hbm>>
    tpu.wait_dma2 semaphore(%arg7 : memref<!tpu.dma_semaphore, #tpu.memory_space<semaphore_mem>>) src(%arg4 : memref<72x1024xf32, #tpu.memory_space<vmem>>) dst(%dma_wait3A_89 : memref<72x1024xf32, #tpu.memory_space<hbm>>)
    %dma_wait3A_90 = arith.constant 2 : i32
    %dma_wait3A_91 = arith.constant 0 : i32
    %dma_wait3A_92 = tpu.memref_slice %arg3[%dma_wait3A_90, %add3A, %dma_wait3A_91] : memref<4x4096x1024xf32, #tpu.memory_space<hbm>> -> memref<1x72x1024xf32, #tpu.memory_space<hbm>>
    %dma_wait3A_93 = tpu.memref_squeeze %dma_wait3A_92 : memref<1x72x1024xf32, #tpu.memory_space<hbm>> -> memref<72x1024xf32, #tpu.memory_space<hbm>>
    %dma_wait3A_94 = arith.constant 0 : i32
    %dma_wait3A_95 = tpu.memref_slice %arg3[%dma_wait3A_90, %add3A, %dma_wait3A_94] : memref<4x4096x1024xf32, #tpu.memory_space<hbm>> -> memref<1x72x1024xf32, #tpu.memory_space<hbm>>
    %dma_wait3A_96 = tpu.memref_squeeze %dma_wait3A_95 : memref<1x72x1024xf32, #tpu.memory_space<hbm>> -> memref<72x1024xf32, #tpu.memory_space<hbm>>
    tpu.wait_dma2 semaphore(%arg7 : memref<!tpu.dma_semaphore, #tpu.memory_space<semaphore_mem>>) src(%arg4 : memref<72x1024xf32, #tpu.memory_space<vmem>>) dst(%dma_wait3A_96 : memref<72x1024xf32, #tpu.memory_space<hbm>>)
    %dma_wait3A_97 = arith.constant 3 : i32
    %dma_wait3A_98 = arith.constant 0 : i32
    %dma_wait3A_99 = tpu.memref_slice %arg3[%dma_wait3A_97, %add3A, %dma_wait3A_98] : memref<4x4096x1024xf32, #tpu.memory_space<hbm>> -> memref<1x72x1024xf32, #tpu.memory_space<hbm>>
    %dma_wait3A_100 = tpu.memref_squeeze %dma_wait3A_99 : memref<1x72x1024xf32, #tpu.memory_space<hbm>> -> memref<72x1024xf32, #tpu.memory_space<hbm>>
    %dma_wait3A_101 = arith.constant 0 : i32
    %dma_wait3A_102 = tpu.memref_slice %arg3[%dma_wait3A_97, %add3A, %dma_wait3A_101] : memref<4x4096x1024xf32, #tpu.memory_space<hbm>> -> memref<1x72x1024xf32, #tpu.memory_space<hbm>>
    %dma_wait3A_103 = tpu.memref_squeeze %dma_wait3A_102 : memref<1x72x1024xf32, #tpu.memory_space<hbm>> -> memref<72x1024xf32, #tpu.memory_space<hbm>>
    tpu.wait_dma2 semaphore(%arg7 : memref<!tpu.dma_semaphore, #tpu.memory_space<semaphore_mem>>) src(%arg4 : memref<72x1024xf32, #tpu.memory_space<vmem>>) dst(%dma_wait3A_103 : memref<72x1024xf32, #tpu.memory_space<hbm>>)
    %dma_wait3A_104 = arith.constant 0 : i32
    %dma_wait3A_105 = arith.constant 0 : i32
    %dma_wait3A_106 = tpu.memref_slice %arg3[%dma_wait3A_104, %add3A_7, %dma_wait3A_105] : memref<4x4096x1024xf32, #tpu.memory_space<hbm>> -> memref<1x56x1024xf32, #tpu.memory_space<hbm>>
    %dma_wait3A_107 = tpu.memref_squeeze %dma_wait3A_106 : memref<1x56x1024xf32, #tpu.memory_space<hbm>> -> memref<56x1024xf32, #tpu.memory_space<hbm>>
    %dma_wait3A_108 = arith.constant 0 : i32
    %dma_wait3A_109 = tpu.memref_slice %arg5[%mul3A_9, %dma_wait3A_108] : memref<896x1024xf32, #tpu.memory_space<vmem_shared>> -> memref<56x1024xf32, #tpu.memory_space<vmem_shared>>
    tpu.wait_dma2 semaphore(%arg7 : memref<!tpu.dma_semaphore, #tpu.memory_space<semaphore_mem>>) src(%dma_wait3A_109 : memref<56x1024xf32, #tpu.memory_space<vmem_shared>>) dst(%dma_wait3A_107 : memref<56x1024xf32, #tpu.memory_space<hbm>>)
    %dma_wait3A_110 = arith.constant 1 : i32
    %dma_wait3A_111 = arith.constant 0 : i32
    %dma_wait3A_112 = tpu.memref_slice %arg3[%dma_wait3A_110, %add3A_7, %dma_wait3A_111] : memref<4x4096x1024xf32, #tpu.memory_space<hbm>> -> memref<1x56x1024xf32, #tpu.memory_space<hbm>>
    %dma_wait3A_113 = tpu.memref_squeeze %dma_wait3A_112 : memref<1x56x1024xf32, #tpu.memory_space<hbm>> -> memref<56x1024xf32, #tpu.memory_space<hbm>>
    %dma_wait3A_114 = arith.constant 0 : i32
    %dma_wait3A_115 = tpu.memref_slice %arg5[%mul3A_9, %dma_wait3A_114] : memref<896x1024xf32, #tpu.memory_space<vmem_shared>> -> memref<56x1024xf32, #tpu.memory_space<vmem_shared>>
    tpu.wait_dma2 semaphore(%arg7 : memref<!tpu.dma_semaphore, #tpu.memory_space<semaphore_mem>>) src(%dma_wait3A_115 : memref<56x1024xf32, #tpu.memory_space<vmem_shared>>) dst(%dma_wait3A_113 : memref<56x1024xf32, #tpu.memory_space<hbm>>)
    %dma_wait3A_116 = arith.constant 2 : i32
    %dma_wait3A_117 = arith.constant 0 : i32
    %dma_wait3A_118 = tpu.memref_slice %arg3[%dma_wait3A_116, %add3A_7, %dma_wait3A_117] : memref<4x4096x1024xf32, #tpu.memory_space<hbm>> -> memref<1x56x1024xf32, #tpu.memory_space<hbm>>
    %dma_wait3A_119 = tpu.memref_squeeze %dma_wait3A_118 : memref<1x56x1024xf32, #tpu.memory_space<hbm>> -> memref<56x1024xf32, #tpu.memory_space<hbm>>
    %dma_wait3A_120 = arith.constant 0 : i32
    %dma_wait3A_121 = tpu.memref_slice %arg5[%mul3A_9, %dma_wait3A_120] : memref<896x1024xf32, #tpu.memory_space<vmem_shared>> -> memref<56x1024xf32, #tpu.memory_space<vmem_shared>>
    tpu.wait_dma2 semaphore(%arg7 : memref<!tpu.dma_semaphore, #tpu.memory_space<semaphore_mem>>) src(%dma_wait3A_121 : memref<56x1024xf32, #tpu.memory_space<vmem_shared>>) dst(%dma_wait3A_119 : memref<56x1024xf32, #tpu.memory_space<hbm>>)
    %dma_wait3A_122 = arith.constant 3 : i32
    %dma_wait3A_123 = arith.constant 0 : i32
    %dma_wait3A_124 = tpu.memref_slice %arg3[%dma_wait3A_122, %add3A_7, %dma_wait3A_123] : memref<4x4096x1024xf32, #tpu.memory_space<hbm>> -> memref<1x56x1024xf32, #tpu.memory_space<hbm>>
    %dma_wait3A_125 = tpu.memref_squeeze %dma_wait3A_124 : memref<1x56x1024xf32, #tpu.memory_space<hbm>> -> memref<56x1024xf32, #tpu.memory_space<hbm>>
    %dma_wait3A_126 = arith.constant 0 : i32
    %dma_wait3A_127 = tpu.memref_slice %arg5[%mul3A_9, %dma_wait3A_126] : memref<896x1024xf32, #tpu.memory_space<vmem_shared>> -> memref<56x1024xf32, #tpu.memory_space<vmem_shared>>
    tpu.wait_dma2 semaphore(%arg7 : memref<!tpu.dma_semaphore, #tpu.memory_space<semaphore_mem>>) src(%dma_wait3A_127 : memref<56x1024xf32, #tpu.memory_space<vmem_shared>>) dst(%dma_wait3A_125 : memref<56x1024xf32, #tpu.memory_space<hbm>>)
    return
  }
}

</mosaic_0001>

<sc_bundles>
// kernel: kernel.3.cloned.1.call-start
scs
__scs_entry_jumppad:
0x0: {  	(pc) =	sbr.rel $0x88, $3  }
0x1: {  	(tag) =	ssettag $0x0;
	lr =	simm.s32 $0x1  }
0x2: {  	[smem:$0x3FA0] =	sst lr;
	_ =	strace $0xD0000000  }
0x3: {  	_ = 	snop  }
0x4: {  	_ = 	snop  }
0x5: {  	_ = 	snop  }
0x6: {  	_ = 	snop  }
0x7: {  	_ = 	snop  }
__scs_overlays_trampoline_lowered:
0x8: {  	[smem:$0x3FAF] =	sst s0  }
0x9: {  	[smem:$0x3FB0] =	sst s1  }
0xa: {  	[smem:$0x3FB1] =	sst s2  }
0xb: {  	[smem:$0x3FB2] =	sst s3  }
0xc: {  	[smem:$0x3FB3] =	sst s4  }
0xd: {  	[smem:$0x3FB4] =	sst s5  }
0xe: {  	[smem:$0x3FB5] =	sst s6  }
0xf: {  	[smem:$0x3FB6] =	sst s7  }
0x10: {  	[smem:$0x3FB7] =	sst s8  }
0x11: {  	[smem:$0x3FB8] =	sst s9;
	s0 =	simm.s32 @!p0 $0x0  }
0x12: {  	s1 =	sld [smem:$0x3F9E];
	s0 =	simm.s32 @p0 $0x1  }
0x13: {  	[smem:$0x3FB9] =	sst s0;
	s0 =	simm.s32 @!p1 $0x0  }
0x14: {  	s2 =	sld [smem:$0x3F9D];
	s0 =	simm.s32 @p1 $0x1  }
0x15: {  	[smem:$0x3FBA] =	sst s0;
	s0 =	simm.s32 @!p2 $0x0  }
0x16: {  	s3 =	sld [smem:$0x3FDB];
	s0 =	simm.s32 @p2 $0x1  }
0x17: {  	s4 =	simm.s32 $0x1BF5;
	[smem:$0x3FBC] =	sst s0  }
0x18: {  	s0 =	sld [smem:$0x3F9F];
	_ =	swait.ge [sflag:s4], $0x0  }
0x19: {  	s7 =	sld [smem:$0x3FA0]  }
0x1a: {  	s8 =	sadd.s32 $0xFFFFE003, lr  }
0x1b: {  	s9 =	sadd.s32 $0xFFFFFEF7, lr;
	s5 =	simm.s32 $0xFFFFFFFF;
	p2 =	slt.u32 s8, $0xFFFFF086  }
0x1c: {  	p1 =	slt.u32 s9, $0xF7A;
	s5 =	simm.s32 @!p2 $0x0  }
0x1d: {  	s5 =	simm.s32 @p1 $0x1;
	p0 =	seq.s32 s7, s2  }
0x1e: {  	s7 =	smul.u32 @!p0 $0xF7A, s2;
	p2 =	seq.s32 @!p0 s5, $0x0  }
0x1f: {  	s9 =	smul.u32 $0xF7A, s1;
	s8 =	simm.s32 @!p0 $0x1BF5;
	p2 =	por !p2, p0  }
0x20: {  	[sflag:s8] =	ssyncset.s32 @!p0 $0xFFFFF086;
	s6 =	sadd.s32 @!p0 s3, s7;
	s7 =	simm.s32 @!p0 $0x108  }
0x21: {  	s3 =	sadd.s32 s3, s9;
	s6 =	sadd.s32 @!p0 $0x88, s6;
	s7 =	simm.s32 @p2 $0x1082  }
0x22: {  	[simem:s7], [sflag:s8] =	dma.local @!p0 [hbm:s6], $0xF7A  }
0x23: {  	s9 =	sor.u32 $0xD0000000, s2;
	s6 =	simm.s32 $0x108;
	_ =	swait.ge @!p0 [sflag:s8], $0x0  }
0x24: {  	s3 =	sadd.s32 $0x88, s3;
	s6 =	simm.s32 @!p1 $0x1082;
	[sflag:s4] =	ssyncset.s32 $0xFFFFF086  }
0x25: {  	[simem:s6], [sflag:s4] =	dma.local [hbm:s3], $0xF7A  }
0x26: {  	[smem:$0x3FA0] =	sst s1;
	(tag) =	ssettag s2;
	_ =	strace s9  }
0x27: {  	s1 =	sld [smem:$0x3FB0]  }
0x28: {  	s2 =	sld [smem:$0x3FB1]  }
0x29: {  	s4 =	sld [smem:$0x3FB3]  }
0x2a: {  	p0 =	seq.s32 s5, $0x0;
	s5 =	sld [smem:$0x3FB4]  }
0x2b: {  	s6 =	sld [smem:$0x3FB5]  }
0x2c: {  	s7 =	sld [smem:$0x3FB6]  }
0x2d: {  	s3 =	simm.s32 $0x108;
	s8 =	sld [smem:$0x3FB7]  }
0x2e: {  	s3 =	simm.s32 @!p0 $0x1082;
	s9 =	sld [smem:$0x3FB8]  }
0x2f: {  	lr =	sadd.s32 s0, s3;
	s0 =	sld [smem:$0x3FAF]  }
0x30: {  	s3 =	sld [smem:$0x3FB2]  }
0x31: {  	[smem:$0x3FBB] =	sst s10  }
0x32: {  	s10 =	sld [smem:$0x3FB9];
	_ =	sdelay $0x3  }
0x33: {  	p0 =	seq.s32 s10, $0x1;
	s10 =	sld [smem:$0x3FBB];
	_ =	sdelay $0x3  }
0x34: {  	[smem:$0x3FBB] =	sst s10  }
0x35: {  	s10 =	sld [smem:$0x3FBA];
	_ =	sdelay $0x3  }
0x36: {  	p1 =	seq.s32 s10, $0x1;
	s10 =	sld [smem:$0x3FBB];
	_ =	sdelay $0x3  }
0x37: {  	[smem:$0x3FBB] =	sst s10  }
0x38: {  	s10 =	sld [smem:$0x3FBC]  }
0x39: {  	_ = 	snop;
	(pc) =	sbr.ind lr, $3  }
0x3a: {  	_ = 	snop  }
0x3b: {  	_ = 	snop  }
0x3c: {  	p2 =	seq.s32 s10, $0x1;
	s10 =	sld [smem:$0x3FBB]  }
0x3d: {  	_ =	shalt  }
0x3e: {  	_ =	shalt  }
0x3f: {  	_ =	shalt  }
0x40: {  	_ =	shalt  }
0x41: {  	_ =	shalt  }
0x42: {  	_ =	shalt  }
0x43: {  	_ =	shalt  }
0x44: {  	_ =	shalt  }
0x45: {  	_ =	shalt  }
0x46: {  	_ =	shalt  }
0x47: {  	_ =	shalt  }
0x48: {  	_ =	shalt  }
0x49: {  	_ =	shalt  }
0x4a: {  	_ =	shalt  }
0x4b: {  	_ =	shalt  }
0x4c: {  	_ =	shalt  }
0x4d: {  	_ =	shalt  }
0x4e: {  	_ =	shalt  }
0x4f: {  	_ =	shalt  }
0x50: {  	_ =	shalt  }
0x51: {  	_ =	shalt  }
0x52: {  	_ =	shalt  }
0x53: {  	_ =	shalt  }
0x54: {  	_ =	shalt  }
0x55: {  	_ =	shalt  }
0x56: {  	_ =	shalt  }
0x57: {  	_ =	shalt  }
0x58: {  	_ =	shalt  }
0x59: {  	_ =	shalt  }
0x5a: {  	_ =	shalt  }
0x5b: {  	_ =	shalt  }
0x5c: {  	_ =	shalt  }
0x5d: {  	_ =	shalt  }
0x5e: {  	_ =	shalt  }
0x5f: {  	_ =	shalt  }
0x60: {  	_ =	shalt  }
0x61: {  	_ =	shalt  }
0x62: {  	_ =	shalt  }
0x63: {  	_ =	shalt  }
0x64: {  	_ =	shalt  }
0x65: {  	_ =	shalt  }
0x66: {  	_ =	shalt  }
0x67: {  	_ =	shalt  }
0x68: {  	_ =	shalt  }
0x69: {  	_ =	shalt  }
0x6a: {  	_ =	shalt  }
0x6b: {  	_ =	shalt  }
0x6c: {  	_ =	shalt  }
0x6d: {  	_ =	shalt  }
0x6e: {  	_ =	shalt  }
0x6f: {  	_ =	shalt  }
0x70: {  	_ =	shalt  }
0x71: {  	_ =	shalt  }
0x72: {  	_ =	shalt  }
0x73: {  	_ =	shalt  }
0x74: {  	_ =	shalt  }
0x75: {  	_ =	shalt  }
0x76: {  	_ =	shalt  }
0x77: {  	_ =	shalt  }
0x78: {  	_ =	shalt  }
0x79: {  	_ =	shalt  }
0x7a: {  	_ =	shalt  }
0x7b: {  	_ =	shalt  }
0x7c: {  	_ =	shalt  }
0x7d: {  	_ =	shalt  }
0x7e: {  	_ =	shalt  }
0x7f: {  	_ =	shalt  }
0x80: {  	_ =	shalt  }
0x81: {  	_ =	shalt  }
0x82: {  	_ =	shalt  }
0x83: {  	_ =	shalt  }
0x84: {  	_ =	shalt  }
0x85: {  	_ =	shalt  }
0x86: {  	_ =	shalt  }
0x87: {  	_ =	shalt  }
.Lfunc_end0:
.L_simem_size_0:
called_computation_lowered:
.L_overlay_start_0:
0x88: {  	s2 =	sld [smem:$0x3FD9]  }
0x89: {  	s3 =	sld [smem:$0x3FFE];
	_ =	sdelay $0x1  }
0x8a: {  	s1 =	srdreg.scid  }
0x8b: {  	s0 =	sand.u32 $0x1, s1  }
0x8c: {  	s18 =	sshll.u32 s0, $0xA;
	s2 =	sadd.s32 s3, s2  }
0x8d: {  	s2 =	sadd.s32 s2, s18  }
0x8e: {  	[smem:$0x3FC7] =	sst s2  }
0x8f: {  	_ = 	snop  }
0x90: {  	s2 =	sld [smem:$0x3FC9]  }
0x91: {  	s19 =	sld [smem:$0x3FD0];
	(tm) =	ssettm $0x1  }
0x92: {  	s4 =	sld [smem:$0x3FFB];
	_ =	sdelay $0x3  }
0x93: {  	_ =	strace s4  }
0x94: {  	s4 =	sld [smem:$0x3FFC];
	_ =	sdelay $0x3  }
0x95: {  	_ =	strace s4  }
0x96: {  	s4 =	sld [smem:$0x3FFD];
	_ =	sdelay $0x3  }
0x97: {  	_ =	strace s4  }
0x98: {  	_ =	strace $0x8FFFFFFF  }
0x99: {  	s20 =	sld [smem:$0x3FDB];
	_ =	sdelay $0x1  }
0x9a: {  	s5 =	simm.s32 $_scs_section_size  }
0x9b: {  	s6 =	simm.s32 $_size__tile_overlayer_lowered;
	s7 =	simm.s32 $_tile_overlayer_lowered  }
0x9c: {  	s23 =	simm.s32 $0x1BFF;
	s22 =	sshll.u32 s7, $0x1;
	s4 =	sadd.s32 s5, s20  }
0x9d: {  	s8 =	simm.s32 $0x0;
	s21 =	sshll.u32 s6, $0x1;
	s6 =	sadd.s32 s22, s4  }
0x9e: {  	[timem:s8], [sflag:s23] =	dma.local [hbm:s6], s21  }
0x9f: {  	_ =	swait.ge [sflag:s23], s21  }
0xa0: {  	s5 =	ssub.s32 $0x0, s21;
	[sflag:s23] =	ssyncset.done $0x0  }
0xa1: {  	[sflag:s23] =	ssyncadd.s32 s5;
	_ =	sdelay $0x1  }
0xa2: {  	s24 =	simm.s32 $0x1B8B  }
0xa3: {  	_ =	swait.ge [sflag:s24], $0x1  }
0xa4: {  	[sflag:s24] =	ssyncset.done $0x0  }
0xa5: {  	s25 =	simm.s32 $0x1B8E;
	[sflag:s24] =	ssyncadd.s32 $0xFFFFFFFF  }
0xa6: {  	s26 =	simm.s32 $execute0_lowered;
	[smem:$0x3FD2] =	sst s25  }
0xa7: {  	s5 =	sshll.u32 s26, $0x1;
	_ =	strace $0x80000046;
	[dreg:$0x1] =	wrdreg $0xFFFFFFFF  }
0xa8: {  	s28 =	simm.s32 $_size_execute0_lowered;
	s4 =	sadd.s32 s4, s5;
	[dreg:$0x0] =	wrdreg $0x0  }
0xa9: {  	s5 =	sshll.u32 s28, $0x1;
	[dreg:$0x2] =	wrdreg s4  }
0xaa: {  	[dreg:$0x3] =	wrdreg s5  }
0xab: {  	[dreg:$0x4] =	wrdreg $0xC0  }
0xac: {  	_ =	task [dreg:s8], $0x5FFFF  }
0xad: {  	[dreg:$0x1] =	wrdreg $0xFFFFFFFF  }
0xae: {  	[dreg:$0x0] =	wrdreg $0x60  }
0xaf: {  	[dreg:$0x2] =	wrdreg s2  }
0xb0: {  	[dreg:$0x3] =	wrdreg s19  }
0xb1: {  	[dreg:$0x4] =	wrdreg $0x120000  }
0xb2: {  	[dreg:$0x5] =	wrdreg $0x9  }
0xb3: {  	_ =	task.clear_ibuf [dreg:s8], $0x6FFFF;
	_ =	strace $0x90000046  }
0xb4: {  	s29 =	simm.s32 $0x9;
	_ =	strace $0x80000048  }
0xb5: {  	_ =	swait.ge [sflag:s29], $0x1  }
0xb6: {  	[sflag:s29] =	ssyncadd.s32 $0xFFFFFFFF  }
0xb7: {  	_ =	strace $0x90000048  }
0xb8: {  	_ =	sfence  }
0xb9: {  	s30 =	sld [smem:$0x0];
	_ =	sdelay $0x2  }
0xba: {  	s31 =	sshll.u32 s1, $0xD;
	s1 =	sshrl.u32 s1, $0x2  }
0xbb: {  	s3 =	sand.u32 $0x4000, s31;
	s1 =	sadd.s32 s1, s30  }
0xbc: {  	s0 =	sor.u32 s3, s0;
	s1 =	sshll.u32 s1, $0x11  }
0xbd: {  	s0 =	sor.u32 s1, s0  }
0xbe: {  	s0 =	sadd.s32 $0x8F2B, s0  }
0xbf: {  	[sflag:s0] =	ssyncadd.remote.s32 $0x1  }
0xc0: {  	_ =	sfence.sel $0xFFFF  }
0xc1: {  	[dreg:$0x0] =	wrdreg $0xFFFFFFFF;
	(pc) =	sbr.abs _section_cstart, $3  }
0xc2: {  	[dreg:$0x1] =	wrdreg $0xFFFFFFFF  }
0xc3: {  	_ =	task.clear_ibuf [dreg:s8], $0x2FFFF;
	_ =	strace $0x9FFFFFFF  }
0xc4: {  	(tm) =	ssettm $0x7FFFFFFF  }
0xc5: {  	_ =	shalt  }
tec
execute0_lowered:
.L_overlay_start_1:
0x0: {  	(tag) =	ssettag $0x1  }
0x1: {  	s4 =	rddreg [dreg:$0x0]  }
0x2: {  	s12 =	rddreg [dreg:$0x1]  }
0x3: {  	s5 =	rddreg [dreg:$0x2];
	s1 =	stileid.u32  }
0x4: {  	s0 =	rddreg [dreg:$0x3];
	s6 =	smul.u32 $0x48, s1  }
0x5: {  	s3 =	srdreg.scid;
	s2 =	simm.s32 $0x0;
	s29 =	smul.u32 $0x38, s1  }
0x6: {  	s18 =	sand.u32 $0x1, s3;
	[smem:$0x7FF] =	sst s2;
	s30 =	smul.u32 $0x38000, s1  }
0x7: {  	s16 =	sshll.u32 s1, $0x6;
	s7 =	sshll.u32 s18, $0xB;
	_ =	strace $0x80000047  }
0x8: {  	s6 =	sor.u32 s6, s7;
	s3 =	sor.u32 s7, s29;
	s31 =	sshrl.u32 s30, $0x2  }
0x9: {  	s7 =	simm.s32 $0x1;
	s8 =	sshll.u32 s3, $0x7;
	s11 =	sshll.u32 s6, $0x7  }
0xa: {  	s6 =	sadd.s32 s31, s5;
	s5 =	sor.u32 $0x1C01, s16;
	s15 =	sadd.s32 $0x24000, s8  }
0xb: {  	s3 =	sadd.s32 s4, s11;
	s6 =	sshrl.u32 s6, $0x3;
	s4 =	sadd.s32 s4, s15  }
0xc: {  	[tilespmem:s2], [sflag:$0x1] =	stream.linear.gather [hbm4b:s3+s2], $0x12000, $0x38;
	v63 =	vld [tilespmem:$0x0]  }
0xd: {  	[spmem:s6], [sflag:s5] =	dma.local [hbm:s4], $0x1C00  }
0xe: {  	_ =	swait.ge [sflag:s7], $0x12000  }
0xf: {  	[sflag:s7] =	ssyncset.done $0x0  }
0x10: {  	s8 =	sadd.s32 s12, s11;
	[sflag:s7] =	ssyncadd.s32 $0xFFFEE000  }
0x11: {  	[hbm4b:s8+s2] =	stream.linear.scatter [tilespmem:s2], [sflag:$0x2], $0x12000, $0x38;
	v63 =	vld [tilespmem:$0x0]  }
0x12: {  	s14 =	sadd.s32 $0x100000, s12;
	s9 =	sadd.s32 $0x80000, s8  }
0x13: {  	[hbm4b:s9+s2] =	stream.linear.scatter [tilespmem:s2], [sflag:$0x2], $0x12000, $0x38;
	v63 =	vld [tilespmem:$0x0]  }
0x14: {  	s17 =	sadd.s32 $0x180000, s12;
	s10 =	sadd.s32 s11, s14  }
0x15: {  	[hbm4b:s10+s2] =	stream.linear.scatter [tilespmem:s2], [sflag:$0x2], $0x12000, $0x38;
	v63 =	vld [tilespmem:$0x0]  }
0x16: {  	s11 =	sadd.s32 s11, s17  }
0x17: {  	[hbm4b:s11+s2] =	stream.linear.scatter [tilespmem:s2], [sflag:$0x2], $0x12000, $0x38;
	v63 =	vld [tilespmem:$0x0]  }
0x18: {  	s12 =	sadd.s32 s12, s15;
	s14 =	sadd.s32 s15, s14;
	_ =	swait.ge [sflag:s7], $0x1C00  }
0x19: {  	s15 =	sadd.s32 s15, s17;
	s17 =	sor.u32 $0x1C02, s16;
	[sflag:s7] =	ssyncset.done $0x0  }
0x1a: {  	s16 =	simm.s32 $0x2;
	s13 =	sadd.s32 $0x80000, s12;
	[sflag:s7] =	ssyncadd.s32 $0xFFFFE400  }
0x1b: {  	[hbm:s12], [sflag:s17] =	dma.local [spmem:s6], $0x1C00  }
0x1c: {  	[hbm:s13], [sflag:s17] =	dma.local [spmem:s6], $0x1C00  }
0x1d: {  	[hbm:s14], [sflag:s17] =	dma.local [spmem:s6], $0x1C00  }
0x1e: {  	[hbm:s15], [sflag:s17] =	dma.local [spmem:s6], $0x1C00  }
0x1f: {  	_ =	swait.ge [sflag:s16], $0x12000  }
0x20: {  	[sflag:s16] =	ssyncset.done $0x0  }
0x21: {  	[sflag:s16] =	ssyncadd.s32 $0xFFFEE000  }
0x22: {  	_ =	swait.ge [sflag:s16], $0x12000  }
0x23: {  	[sflag:s16] =	ssyncset.done $0x0  }
0x24: {  	[sflag:s16] =	ssyncadd.s32 $0xFFFEE000  }
0x25: {  	_ =	swait.ge [sflag:s16], $0x12000  }
0x26: {  	[sflag:s16] =	ssyncset.done $0x0  }
0x27: {  	[sflag:s16] =	ssyncadd.s32 $0xFFFEE000  }
0x28: {  	_ =	swait.ge [sflag:s16], $0x12000  }
0x29: {  	[sflag:s16] =	ssyncset.done $0x0  }
0x2a: {  	[sflag:s16] =	ssyncadd.s32 $0xFFFEE000  }
0x2b: {  	_ =	swait.ge [sflag:s16], $0x1C00  }
0x2c: {  	s18 =	ssub.s32 $0x2, s18;
	[sflag:s16] =	ssyncset.done $0x0  }
0x2d: {  	s19 =	sshrl.u32 s18, $0x1;
	[sflag:s16] =	ssyncadd.s32 $0xFFFFE400  }
0x2e: {  	s18 =	ssub.s32 s18, s19;
	_ =	swait.ge [sflag:s16], $0x1C00  }
0x2f: {  	s18 =	smax.u32 s18, $0x1;
	[sflag:s16] =	ssyncset.done $0x0  }
0x30: {  	p0 =	sne.s32 s18, $0x1;
	[sflag:s16] =	ssyncadd.s32 $0xFFFFE400  }
.Ltmp0:
0x31: {  	_ =	swait.ge [sflag:s16], $0x1C00;
	(pc) =	sbr.rel @!p0 .LBB2_2-.Ltmp0, $4  }
0x32: {  	[sflag:s16] =	ssyncset.done $0x0  }
0x33: {  	[sflag:s16] =	ssyncadd.s32 $0xFFFFE400  }
0x34: {  	_ =	swait.ge [sflag:s16], $0x1C00  }
0x35: {  	s18 =	sadd.s32 $0xFFFFFFFF, s18;
	[sflag:s16] =	ssyncset.done $0x0  }
.LBB2_1:
0x36: {  	p0 =	sne.s32 s18, $0x1;
	s18 =	sadd.s32 $0xFFFFFFFF, s18;
	[sflag:s16] =	ssyncadd.s32 $0xFFFFE400  }
0x37: {  	[tilespmem:s2], [sflag:$0x1] =	stream.linear.gather [hbm4b:s3+s2], $0x12000, $0x38;
	v63 =	vld [tilespmem:$0x0]  }
0x38: {  	[spmem:s6], [sflag:s5] =	dma.local [hbm:s4], $0x1C00  }
0x39: {  	_ =	swait.ge [sflag:s7], $0x12000  }
0x3a: {  	[sflag:s7] =	ssyncset.done $0x0  }
0x3b: {  	[sflag:s7] =	ssyncadd.s32 $0xFFFEE000  }
0x3c: {  	[hbm4b:s8+s2] =	stream.linear.scatter [tilespmem:s2], [sflag:$0x2], $0x12000, $0x38;
	v63 =	vld [tilespmem:$0x0]  }
0x3d: {  	_ = 	snop  }
0x3e: {  	[hbm4b:s9+s2] =	stream.linear.scatter [tilespmem:s2], [sflag:$0x2], $0x12000, $0x38;
	v63 =	vld [tilespmem:$0x0]  }
0x3f: {  	_ = 	snop  }
0x40: {  	[hbm4b:s10+s2] =	stream.linear.scatter [tilespmem:s2], [sflag:$0x2], $0x12000, $0x38;
	v63 =	vld [tilespmem:$0x0]  }
0x41: {  	_ = 	snop  }
0x42: {  	[hbm4b:s11+s2] =	stream.linear.scatter [tilespmem:s2], [sflag:$0x2], $0x12000, $0x38;
	v63 =	vld [tilespmem:$0x0]  }
0x43: {  	_ =	swait.ge [sflag:s7], $0x1C00  }
0x44: {  	[sflag:s7] =	ssyncset.done $0x0  }
0x45: {  	[sflag:s7] =	ssyncadd.s32 $0xFFFFE400  }
0x46: {  	[hbm:s12], [sflag:s17] =	dma.local [spmem:s6], $0x1C00  }
0x47: {  	[hbm:s13], [sflag:s17] =	dma.local [spmem:s6], $0x1C00  }
0x48: {  	[hbm:s14], [sflag:s17] =	dma.local [spmem:s6], $0x1C00  }
0x49: {  	[hbm:s15], [sflag:s17] =	dma.local [spmem:s6], $0x1C00  }
0x4a: {  	_ =	swait.ge [sflag:s16], $0x12000  }
0x4b: {  	[sflag:s16] =	ssyncset.done $0x0  }
0x4c: {  	[sflag:s16] =	ssyncadd.s32 $0xFFFEE000  }
0x4d: {  	_ =	swait.ge [sflag:s16], $0x12000  }
0x4e: {  	[sflag:s16] =	ssyncset.done $0x0  }
0x4f: {  	[sflag:s16] =	ssyncadd.s32 $0xFFFEE000  }
0x50: {  	_ =	swait.ge [sflag:s16], $0x12000  }
0x51: {  	[sflag:s16] =	ssyncset.done $0x0  }
0x52: {  	[sflag:s16] =	ssyncadd.s32 $0xFFFEE000  }
0x53: {  	_ =	swait.ge [sflag:s16], $0x12000  }
0x54: {  	[sflag:s16] =	ssyncset.done $0x0  }
0x55: {  	[sflag:s16] =	ssyncadd.s32 $0xFFFEE000  }
0x56: {  	_ =	swait.ge [sflag:s16], $0x1C00  }
0x57: {  	[sflag:s16] =	ssyncset.done $0x0  }
0x58: {  	[sflag:s16] =	ssyncadd.s32 $0xFFFFE400  }
0x59: {  	_ =	swait.ge [sflag:s16], $0x1C00  }
0x5a: {  	[sflag:s16] =	ssyncset.done $0x0  }
0x5b: {  	[sflag:s16] =	ssyncadd.s32 $0xFFFFE400  }
.Ltmp1:
0x5c: {  	_ =	swait.ge [sflag:s16], $0x1C00;
	(pc) =	sbr.rel @p0 .LBB2_1-.Ltmp1, $4  }
0x5d: {  	[sflag:s16] =	ssyncset.done $0x0  }
0x5e: {  	[sflag:s16] =	ssyncadd.s32 $0xFFFFE400  }
0x5f: {  	_ =	swait.ge [sflag:s16], $0x1C00  }
0x60: {  	[sflag:s16] =	ssyncset.done $0x0  }
.LBB2_2:
0x61: {  	[sflag:s16] =	ssyncadd.s32 $0xFFFFE400  }
0x62: {  	_ =	sfence.sel $0x180000  }
0x63: {  	[bflag:$0x0] =	sbarrier.arrive $0xFFFF  }
0x64: {  	p0 =	sne.s32 s1, $0x0;
	_ =	strace $0x90000047  }
0x65: {  	s0 =	sadd.s32 @!p0 $0x100000, s0;
	[bflag:$0x2] =	sbarrier.arrive $0xFFFF  }
0x66: {  	[sflag:s0] =	ssyncadd.tile.s32 @!p0 $0x1;
	_ =	shalt  }
.Lfunc_end2:
_tile_overlayer_lowered:
.L_overlay_start_2:
0x67: {  	(tag) =	ssettag $0x2  }
0x68: {  	s0 =	rddreg [dreg:$0x0];
	s2 =	stileid.u32  }
0x69: {  	s1 =	rddreg [dreg:$0x1];
	p0 =	sne.s32 s2, $0x0  }
0x6a: {  	s3 =	rddreg [dreg:$0x2];
	[bflag:$0x3] =	sbarrier.arrive $0xFFFF;
	s2 =	simm.s32 @!p0 $0x1C03  }
0x6b: {  	[timem:s3], [sflag:s2] =	dma.local @!p0 [hbm:s0], s1  }
0x6c: {  	s0 =	simm.s32 @!p0 $0x3  }
0x6d: {  	_ =	swait.ge @!p0 [sflag:s0], s1  }
0x6e: {  	s1 =	ssub.s32 @!p0 $0x0, s1;
	[sflag:s0] =	ssyncset.done @!p0 $0x0  }
0x6f: {  	[sflag:s0] =	ssyncadd.s32 @!p0 s1  }
0x70: {  	[bflag:$0x3] =	sbarrier.arrive $0xFFFF  }
0x71: {  	_ =	shalt  }

</sc_bundles>
